<compile_context>
chip_gen: v7x
topology: tpu7x:2x2x1
jax: 0.10.2.dev20260603
libtpu: 0.0.44.dev20260713+nightly
codegen_flags: <defaults>
</compile_context>

<pallas_src>
import functools
import math

import jax
import jax.numpy as jnp
from jax import lax
from jax.experimental import pallas as pl
from jax.experimental.pallas import tpu as pltpu
from jax.experimental.pallas import tpu_sc as plsc

D_MODEL = 128
AA_VOCAB = 24
MOD_PAD = 16
COMBO = AA_VOCAB * MOD_PAD
SCALE = math.sqrt(24.0)

NUM_CORES = 2
NUM_SUBCORES = 16
NUM_WORKERS = NUM_CORES * NUM_SUBCORES


def _prep_body(aa_ref, modp_ref, pe_ref, seq_ref, mods_ref, fused_ref, ci_ref):
    base = (aa_ref[...][:, None, :] + modp_ref[...][None, :, :]) * SCALE
    base = base.reshape(COMBO, D_MODEL)
    fused_ref[...] = base[None, :, :] + pe_ref[...][:, None, :]

    nw, L, bpw = ci_ref.shape
    x = seq_ref[...] * MOD_PAD + mods_ref[...]
    x = x.reshape(nw, bpw, L)
    x = jnp.swapaxes(x, 1, 2)
    ci_ref[...] = x + lax.broadcasted_iota(jnp.int32, (nw, L, bpw), 1) * COMBO


def _tc_prep(aa_table, mod_table, pe50, seq, mods, L, B):
    modp = jnp.pad(mod_table, ((0, MOD_PAD - mod_table.shape[0]), (0, 0)))
    bpw = B // NUM_WORKERS
    fused, ci = pl.pallas_call(
        _prep_body,
        out_shape=[
            jax.ShapeDtypeStruct((L, COMBO, D_MODEL), jnp.float32),
            jax.ShapeDtypeStruct((NUM_WORKERS, L, bpw), jnp.int32),
        ],
    )(aa_table, modp, pe50, seq, mods)
    return fused.reshape(L * COMBO, D_MODEL), ci


def _sc_lookup(fused, ci, B, L):
    bpw = B // NUM_WORKERS
    mesh = plsc.VectorSubcoreMesh(core_axis_name="c", subcore_axis_name="s")

    @functools.partial(
        pl.kernel,
        mesh=mesh,
        out_type=jax.ShapeDtypeStruct((L, B, D_MODEL), jnp.float32),
        scratch_types=[
            pltpu.VMEM((L, bpw), jnp.int32),
            pltpu.VMEM((bpw, D_MODEL), jnp.float32),
            pltpu.VMEM((bpw, D_MODEL), jnp.float32),
            pltpu.SemaphoreType.DMA,
            pltpu.SemaphoreType.DMA,
            pltpu.SemaphoreType.DMA,
            pltpu.SemaphoreType.DMA,
        ],
    )
    def body(fused_hbm, ci_hbm, out_hbm, ci_v, buf_a, buf_b, gsem_a, gsem_b,
             ssem_a, ssem_b):
        wid = lax.axis_index("s") * NUM_CORES + lax.axis_index("c")
        b0 = wid * bpw
        pltpu.sync_copy(ci_hbm.at[wid], ci_v)

        def do_pair(i, carry):
            l0 = 2 * i
            l1 = l0 + 1

            @pl.when(i > 0)
            def _():
                pltpu.make_async_copy(buf_a, out_hbm.at[l0, pl.ds(b0, bpw)],
                                      ssem_a).wait()

            pltpu.async_copy(fused_hbm.at[ci_v.at[l0]], buf_a, gsem_a).wait()
            pltpu.async_copy(buf_a, out_hbm.at[l0, pl.ds(b0, bpw)], ssem_a)

            @pl.when(i > 0)
            def _():
                pltpu.make_async_copy(buf_b, out_hbm.at[l1, pl.ds(b0, bpw)],
                                      ssem_b).wait()

            pltpu.async_copy(fused_hbm.at[ci_v.at[l1]], buf_b, gsem_b).wait()
            pltpu.async_copy(buf_b, out_hbm.at[l1, pl.ds(b0, bpw)], ssem_b)
            return carry

        lax.fori_loop(0, L // 2, do_pair, 0)
        pltpu.make_async_copy(buf_a, out_hbm.at[0, pl.ds(b0, bpw)], ssem_a).wait()
        pltpu.make_async_copy(buf_b, out_hbm.at[0, pl.ds(b0, bpw)], ssem_b).wait()

    return body(fused, ci)


def kernel(seq, mods, aa_table, mod_table, pe):
    seq = seq.astype(jnp.int32)
    mods = mods.astype(jnp.int32)
    L = seq.shape[1]
    B = seq.shape[0]
    pad = L - mods.shape[1]
    if pad:
        mods = jnp.pad(mods, ((0, 0), (0, pad)))
    pe50 = pe[:L, 0, :]
    fused, ci = _tc_prep(aa_table, mod_table, pe50, seq, mods, L, B)
    return _sc_lookup(fused, ci, B, L)

# --- scband reference (transcript-rebuilt; emitter-appended) ---
"""Pipeline reference for scband-aasequence-embedding-12326556139539 (READ-ONLY COPY).

The authoritative reference and input builder live on the scoring server;
editing this copy changes nothing except your own understanding.
"""

import math
import jax, jax.numpy as jnp
import numpy as np

D_MODEL = 128
AA_VOCAB = 24          # constants.AAS_NUM + 1
MOD_VOCAB = 15         # len(constants.MODIFICATION) + 1
MAX_LEN = 128          # constants.MAX_TENSOR_SEQUENCE * 4 (MAX_TENSOR_SEQUENCE = 32)


def _make_pe(d_model=D_MODEL, max_len=MAX_LEN):
    pe = np.zeros((max_len, d_model), dtype=np.float32)
    position = np.arange(0, max_len, dtype=np.float32)[:, None]
    div_term = np.exp(np.arange(0, d_model, 2, dtype=np.float32) * (-math.log(10000.0) / d_model))
    pe[:, 0::2] = np.sin(position * div_term)
    pe[:, 1::2] = np.cos(position * div_term)
    pe = pe[:, None, :] / math.sqrt(d_model)   # [max_len, 1, d_model]
    return jnp.asarray(pe)


def setup_inputs(seed: int = 0) -> dict:
    key = jax.random.key(seed)
    k1, k2, k3, k4 = jax.random.split(key, 4)
    seq = jax.random.randint(k1, (4096, 50), 0, AA_VOCAB, dtype=jnp.int64 if jax.config.jax_enable_x64 else jnp.int32)
    mods = jax.random.randint(k2, (4096, 50), 0, MOD_VOCAB, dtype=jnp.int64 if jax.config.jax_enable_x64 else jnp.int32)
    initrange = 0.1
    aa_table = jax.random.uniform(k3, (AA_VOCAB, D_MODEL), minval=-initrange, maxval=initrange, dtype=jnp.float32)
    aa_table = aa_table.at[0].set(0.0)   # padding_idx=0
    mod_table = jax.random.uniform(k4, (MOD_VOCAB, D_MODEL), minval=-initrange * 0.01, maxval=initrange * 0.01, dtype=jnp.float32)
    mod_table = mod_table.at[0].set(0.0)  # padding_idx=0
    pe = _make_pe()
    return {"seq": seq, "mods": mods, "aa_table": aa_table, "mod_table": mod_table, "pe": pe}


def reference(seq, mods, aa_table, mod_table, pe):
    # mods = F.pad(mods, (0, seq.size(1) - mods.size(1))) : same length -> no-op pad
    pad = seq.shape[1] - mods.shape[1]
    mods = jnp.pad(mods, ((0, 0), (0, pad)))
    # permute(1, 0): [B, L] -> [L, B], then embedding gather -> [L, B, D]
    seq_e = jnp.take(aa_table, seq.T, axis=0)
    mod_e = jnp.take(mod_table, mods.T, axis=0)
    x = seq_e + mod_e
    x = x * math.sqrt(AA_VOCAB)
    # positional encoding: x + pe[:seq_len]
    x = x + pe[: x.shape[0], :]
    return x

if __name__ == "__main__":
    import jax
    _d = setup_inputs()
    print(jax.jit(kernel)(*tuple(_d.values())))

</pallas_src>

<mosaic_0001>
#map = affine_map<(d0, d1) -> (0, 0)>
#map1 = affine_map<(d0, d1) -> (0, 0, 0)>
module attributes {stable_mosaic.version = 14 : i64} {
  func.func @body(%arg0: i32, %arg1: i32, %arg2: memref<19200x128xf32, #tpu.memory_space<hbm>>, %arg3: memref<32x50x128xi32, #tpu.memory_space<hbm>>, %arg4: memref<50x4096x128xf32, #tpu.memory_space<hbm>>, %arg5: memref<50x128xi32, #tpu.memory_space<vmem>>, %arg6: memref<128x128xf32, #tpu.memory_space<vmem>>, %arg7: memref<128x128xf32, #tpu.memory_space<vmem>>, %arg8: memref<!tpu.dma_semaphore, #tpu.memory_space<semaphore_mem>>, %arg9: memref<!tpu.dma_semaphore, #tpu.memory_space<semaphore_mem>>, %arg10: memref<!tpu.dma_semaphore, #tpu.memory_space<semaphore_mem>>, %arg11: memref<!tpu.dma_semaphore, #tpu.memory_space<semaphore_mem>>) attributes {dimension_semantics = [#tpu.dimension_semantics<core_parallel>, #tpu.dimension_semantics<subcore_parallel>], iteration_bounds = array<i64: 2, 16>, scalar_prefetch = 0 : i64, scratch_operands = 7 : i64, tpu.core_type = #tpu.core_type<sc_vector_subcore>, window_params = [{transform_indices = #map}, {transform_indices = #map1}, {transform_indices = #map1}]} {
    %mul3A = arith.constant 2 : i32
    %mul3A_0 = arith.muli %arg1, %mul3A : i32
    %add3A = arith.addi %mul3A_0, %arg0 : i32
    %mul3A_1 = arith.constant 128 : i32
    %mul3A_2 = arith.muli %add3A, %mul3A_1 : i32
    "tpu.region"() ({
      %run_scoped3A = tpu.sem_alloc : memref<!tpu.dma_semaphore, #tpu.memory_space<semaphore_mem>>
      %dma_start3A = arith.constant 0 : i32
      %dma_start3A_21 = arith.constant 0 : i32
      %dma_start3A_22 = tpu.memref_slice %arg3[%add3A, %dma_start3A, %dma_start3A_21] : memref<32x50x128xi32, #tpu.memory_space<hbm>> -> memref<1x50x128xi32, #tpu.memory_space<hbm>>
      %dma_start3A_23 = tpu.memref_squeeze %dma_start3A_22 : memref<1x50x128xi32, #tpu.memory_space<hbm>> -> memref<50x128xi32, #tpu.memory_space<hbm>>
      %dma_start3A_24 = arith.constant 0 : i32
      %dma_start3A_25 = arith.constant 0 : i32
      %dma_start3A_26 = tpu.memref_slice %arg3[%add3A, %dma_start3A_24, %dma_start3A_25] : memref<32x50x128xi32, #tpu.memory_space<hbm>> -> memref<1x50x128xi32, #tpu.memory_space<hbm>>
      %dma_start3A_27 = tpu.memref_squeeze %dma_start3A_26 : memref<1x50x128xi32, #tpu.memory_space<hbm>> -> memref<50x128xi32, #tpu.memory_space<hbm>>
      tpu.enqueue_dma source(%dma_start3A_27 : memref<50x128xi32, #tpu.memory_space<hbm>>) target(%arg5 : memref<50x128xi32, #tpu.memory_space<vmem>>) target_semaphore(%run_scoped3A : memref<!tpu.dma_semaphore, #tpu.memory_space<semaphore_mem>>)
      %dma_wait3A_28 = arith.constant 0 : i32
      %dma_wait3A_29 = arith.constant 0 : i32
      %dma_wait3A_30 = tpu.memref_slice %arg3[%add3A, %dma_wait3A_28, %dma_wait3A_29] : memref<32x50x128xi32, #tpu.memory_space<hbm>> -> memref<1x50x128xi32, #tpu.memory_space<hbm>>
      %dma_wait3A_31 = tpu.memref_squeeze %dma_wait3A_30 : memref<1x50x128xi32, #tpu.memory_space<hbm>> -> memref<50x128xi32, #tpu.memory_space<hbm>>
      %dma_wait3A_32 = arith.constant 0 : i32
      %dma_wait3A_33 = arith.constant 0 : i32
      %dma_wait3A_34 = tpu.memref_slice %arg3[%add3A, %dma_wait3A_32, %dma_wait3A_33] : memref<32x50x128xi32, #tpu.memory_space<hbm>> -> memref<1x50x128xi32, #tpu.memory_space<hbm>>
      %dma_wait3A_35 = tpu.memref_squeeze %dma_wait3A_34 : memref<1x50x128xi32, #tpu.memory_space<hbm>> -> memref<50x128xi32, #tpu.memory_space<hbm>>
      tpu.wait_dma2 semaphore(%run_scoped3A : memref<!tpu.dma_semaphore, #tpu.memory_space<semaphore_mem>>) src(%dma_wait3A_35 : memref<50x128xi32, #tpu.memory_space<hbm>>) dst(%arg5 : memref<50x128xi32, #tpu.memory_space<vmem>>)
      tpu.yield
    }) : () -> ()
    %scan3A = arith.constant 0 : i32
    %scan3A_3 = arith.constant 0 : i32
    %scan3A_4 = arith.constant 25 : i32
    %scan3A_5 = arith.addi %scan3A_3, %scan3A_4 : i32
    %scan3A_6 = arith.constant 1 : i32
    scf.for %scan3A_21 = %scan3A_3 to %scan3A_5 step %scan3A_6  : i32 {
      %mul3A_22 = arith.constant 2 : i32
      %mul3A_23 = arith.muli %mul3A_22, %scan3A_21 : i32
      %add3A_24 = arith.constant 1 : i32
      %add3A_25 = arith.addi %mul3A_23, %add3A_24 : i32
      %gt3A = arith.constant 0 : i32
      %gt3A_26 = arith.cmpi sgt, %scan3A_21, %gt3A : i32
      %convert_element_type3A = arith.extui %gt3A_26 : i1 to i32
      %cond3A = arith.constant 0 : i32
      %cond3A_27 = arith.cmpi ne, %convert_element_type3A, %cond3A : i32
      scf.if %cond3A_27 {
        %dma_wait3A_68 = arith.constant 0 : i32
        %dma_wait3A_69 = tpu.memref_slice %arg4[%mul3A_23, %mul3A_2, %dma_wait3A_68] : memref<50x4096x128xf32, #tpu.memory_space<hbm>> -> memref<1x128x128xf32, #tpu.memory_space<hbm>>
        %dma_wait3A_70 = tpu.memref_squeeze %dma_wait3A_69 : memref<1x128x128xf32, #tpu.memory_space<hbm>> -> memref<128x128xf32, #tpu.memory_space<hbm>>
        %dma_wait3A_71 = arith.constant 0 : i32
        %dma_wait3A_72 = tpu.memref_slice %arg4[%mul3A_23, %mul3A_2, %dma_wait3A_71] : memref<50x4096x128xf32, #tpu.memory_space<hbm>> -> memref<1x128x128xf32, #tpu.memory_space<hbm>>
        %dma_wait3A_73 = tpu.memref_squeeze %dma_wait3A_72 : memref<1x128x128xf32, #tpu.memory_space<hbm>> -> memref<128x128xf32, #tpu.memory_space<hbm>>
        tpu.wait_dma2 semaphore(%arg10 : memref<!tpu.dma_semaphore, #tpu.memory_space<semaphore_mem>>) src(%arg6 : memref<128x128xf32, #tpu.memory_space<vmem>>) dst(%dma_wait3A_73 : memref<128x128xf32, #tpu.memory_space<hbm>>)
      } else {
      }
      %dma_start3A = arith.constant 0 : i32
      %dma_start3A_28 = tpu.memref_slice %arg5[%mul3A_23, %dma_start3A] : memref<50x128xi32, #tpu.memory_space<vmem>> -> memref<1x128xi32, #tpu.memory_space<vmem>>
      %dma_start3A_29 = tpu.memref_squeeze %dma_start3A_28 : memref<1x128xi32, #tpu.memory_space<vmem>> -> memref<128xi32, #tpu.memory_space<vmem>>
      %dma_start3A_30 = arith.constant 0 : i32
      %dma_start3A_31 = arith.constant 0 : i32
      %dma_start3A_32 = tpu.memref_slice %arg2[%dma_start3A_30, %dma_start3A_31] : memref<19200x128xf32, #tpu.memory_space<hbm>> -> memref<19200x128xf32, #tpu.memory_space<hbm>>
      tpu.enqueue_indirect_dma source(%dma_start3A_32 : memref<19200x128xf32, #tpu.memory_space<hbm>>) target(%arg6 : memref<128x128xf32, #tpu.memory_space<vmem>>) offsets(%dma_start3A_29 : memref<128xi32, #tpu.memory_space<vmem>>) semaphore(%arg8 : memref<!tpu.dma_semaphore, #tpu.memory_space<semaphore_mem>>)
      %dma_wait3A_33 = arith.constant 0 : i32
      %dma_wait3A_34 = tpu.memref_slice %arg5[%mul3A_23, %dma_wait3A_33] : memref<50x128xi32, #tpu.memory_space<vmem>> -> memref<1x128xi32, #tpu.memory_space<vmem>>
      %dma_wait3A_35 = tpu.memref_squeeze %dma_wait3A_34 : memref<1x128xi32, #tpu.memory_space<vmem>> -> memref<128xi32, #tpu.memory_space<vmem>>
      %dma_wait3A_36 = arith.constant 0 : i32
      %dma_wait3A_37 = arith.constant 0 : i32
      %dma_wait3A_38 = tpu.memref_slice %arg2[%dma_wait3A_36, %dma_wait3A_37] : memref<19200x128xf32, #tpu.memory_space<hbm>> -> memref<19200x128xf32, #tpu.memory_space<hbm>>
      tpu.wait_indirect_dma semaphore(%arg8 : memref<!tpu.dma_semaphore, #tpu.memory_space<semaphore_mem>>) src(%dma_wait3A_38 : memref<19200x128xf32, #tpu.memory_space<hbm>>) dst(%arg6 : memref<128x128xf32, #tpu.memory_space<vmem>>)
      %dma_start3A_39 = arith.constant 0 : i32
      %dma_start3A_40 = tpu.memref_slice %arg4[%mul3A_23, %mul3A_2, %dma_start3A_39] : memref<50x4096x128xf32, #tpu.memory_space<hbm>> -> memref<1x128x128xf32, #tpu.memory_space<hbm>>
      %dma_start3A_41 = tpu.memref_squeeze %dma_start3A_40 : memref<1x128x128xf32, #tpu.memory_space<hbm>> -> memref<128x128xf32, #tpu.memory_space<hbm>>
      %dma_start3A_42 = arith.constant 0 : i32
      %dma_start3A_43 = tpu.memref_slice %arg4[%mul3A_23, %mul3A_2, %dma_start3A_42] : memref<50x4096x128xf32, #tpu.memory_space<hbm>> -> memref<1x128x128xf32, #tpu.memory_space<hbm>>
      %dma_start3A_44 = tpu.memref_squeeze %dma_start3A_43 : memref<1x128x128xf32, #tpu.memory_space<hbm>> -> memref<128x128xf32, #tpu.memory_space<hbm>>
      tpu.enqueue_dma source(%arg6 : memref<128x128xf32, #tpu.memory_space<vmem>>) target(%dma_start3A_44 : memref<128x128xf32, #tpu.memory_space<hbm>>) target_semaphore(%arg10 : memref<!tpu.dma_semaphore, #tpu.memory_space<semaphore_mem>>)
      %gt3A_45 = arith.constant 0 : i32
      %gt3A_46 = arith.cmpi sgt, %scan3A_21, %gt3A_45 : i32
      %convert_element_type3A_47 = arith.extui %gt3A_46 : i1 to i32
      %cond3A_48 = arith.constant 0 : i32
      %cond3A_49 = arith.cmpi ne, %convert_element_type3A_47, %cond3A_48 : i32
      scf.if %cond3A_49 {
        %dma_wait3A_68 = arith.constant 0 : i32
        %dma_wait3A_69 = tpu.memref_slice %arg4[%add3A_25, %mul3A_2, %dma_wait3A_68] : memref<50x4096x128xf32, #tpu.memory_space<hbm>> -> memref<1x128x128xf32, #tpu.memory_space<hbm>>
        %dma_wait3A_70 = tpu.memref_squeeze %dma_wait3A_69 : memref<1x128x128xf32, #tpu.memory_space<hbm>> -> memref<128x128xf32, #tpu.memory_space<hbm>>
        %dma_wait3A_71 = arith.constant 0 : i32
        %dma_wait3A_72 = tpu.memref_slice %arg4[%add3A_25, %mul3A_2, %dma_wait3A_71] : memref<50x4096x128xf32, #tpu.memory_space<hbm>> -> memref<1x128x128xf32, #tpu.memory_space<hbm>>
        %dma_wait3A_73 = tpu.memref_squeeze %dma_wait3A_72 : memref<1x128x128xf32, #tpu.memory_space<hbm>> -> memref<128x128xf32, #tpu.memory_space<hbm>>
        tpu.wait_dma2 semaphore(%arg11 : memref<!tpu.dma_semaphore, #tpu.memory_space<semaphore_mem>>) src(%arg7 : memref<128x128xf32, #tpu.memory_space<vmem>>) dst(%dma_wait3A_73 : memref<128x128xf32, #tpu.memory_space<hbm>>)
      } else {
      }
      %dma_start3A_50 = arith.constant 0 : i32
      %dma_start3A_51 = tpu.memref_slice %arg5[%add3A_25, %dma_start3A_50] : memref<50x128xi32, #tpu.memory_space<vmem>> -> memref<1x128xi32, #tpu.memory_space<vmem>>
      %dma_start3A_52 = tpu.memref_squeeze %dma_start3A_51 : memref<1x128xi32, #tpu.memory_space<vmem>> -> memref<128xi32, #tpu.memory_space<vmem>>
      %dma_start3A_53 = arith.constant 0 : i32
      %dma_start3A_54 = arith.constant 0 : i32
      %dma_start3A_55 = tpu.memref_slice %arg2[%dma_start3A_53, %dma_start3A_54] : memref<19200x128xf32, #tpu.memory_space<hbm>> -> memref<19200x128xf32, #tpu.memory_space<hbm>>
      tpu.enqueue_indirect_dma source(%dma_start3A_55 : memref<19200x128xf32, #tpu.memory_space<hbm>>) target(%arg7 : memref<128x128xf32, #tpu.memory_space<vmem>>) offsets(%dma_start3A_52 : memref<128xi32, #tpu.memory_space<vmem>>) semaphore(%arg9 : memref<!tpu.dma_semaphore, #tpu.memory_space<semaphore_mem>>)
      %dma_wait3A_56 = arith.constant 0 : i32
      %dma_wait3A_57 = tpu.memref_slice %arg5[%add3A_25, %dma_wait3A_56] : memref<50x128xi32, #tpu.memory_space<vmem>> -> memref<1x128xi32, #tpu.memory_space<vmem>>
      %dma_wait3A_58 = tpu.memref_squeeze %dma_wait3A_57 : memref<1x128xi32, #tpu.memory_space<vmem>> -> memref<128xi32, #tpu.memory_space<vmem>>
      %dma_wait3A_59 = arith.constant 0 : i32
      %dma_wait3A_60 = arith.constant 0 : i32
      %dma_wait3A_61 = tpu.memref_slice %arg2[%dma_wait3A_59, %dma_wait3A_60] : memref<19200x128xf32, #tpu.memory_space<hbm>> -> memref<19200x128xf32, #tpu.memory_space<hbm>>
      tpu.wait_indirect_dma semaphore(%arg9 : memref<!tpu.dma_semaphore, #tpu.memory_space<semaphore_mem>>) src(%dma_wait3A_61 : memref<19200x128xf32, #tpu.memory_space<hbm>>) dst(%arg7 : memref<128x128xf32, #tpu.memory_space<vmem>>)
      %dma_start3A_62 = arith.constant 0 : i32
      %dma_start3A_63 = tpu.memref_slice %arg4[%add3A_25, %mul3A_2, %dma_start3A_62] : memref<50x4096x128xf32, #tpu.memory_space<hbm>> -> memref<1x128x128xf32, #tpu.memory_space<hbm>>
      %dma_start3A_64 = tpu.memref_squeeze %dma_start3A_63 : memref<1x128x128xf32, #tpu.memory_space<hbm>> -> memref<128x128xf32, #tpu.memory_space<hbm>>
      %dma_start3A_65 = arith.constant 0 : i32
      %dma_start3A_66 = tpu.memref_slice %arg4[%add3A_25, %mul3A_2, %dma_start3A_65] : memref<50x4096x128xf32, #tpu.memory_space<hbm>> -> memref<1x128x128xf32, #tpu.memory_space<hbm>>
      %dma_start3A_67 = tpu.memref_squeeze %dma_start3A_66 : memref<1x128x128xf32, #tpu.memory_space<hbm>> -> memref<128x128xf32, #tpu.memory_space<hbm>>
      tpu.enqueue_dma source(%arg7 : memref<128x128xf32, #tpu.memory_space<vmem>>) target(%dma_start3A_67 : memref<128x128xf32, #tpu.memory_space<hbm>>) target_semaphore(%arg11 : memref<!tpu.dma_semaphore, #tpu.memory_space<semaphore_mem>>)
    }
    %scan3A_7 = arith.constant 25 : i32
    %dma_wait3A = arith.constant 0 : i32
    %dma_wait3A_8 = arith.constant 0 : i32
    %dma_wait3A_9 = tpu.memref_slice %arg4[%dma_wait3A, %mul3A_2, %dma_wait3A_8] : memref<50x4096x128xf32, #tpu.memory_space<hbm>> -> memref<1x128x128xf32, #tpu.memory_space<hbm>>
    %dma_wait3A_10 = tpu.memref_squeeze %dma_wait3A_9 : memref<1x128x128xf32, #tpu.memory_space<hbm>> -> memref<128x128xf32, #tpu.memory_space<hbm>>
    %dma_wait3A_11 = arith.constant 0 : i32
    %dma_wait3A_12 = tpu.memref_slice %arg4[%dma_wait3A, %mul3A_2, %dma_wait3A_11] : memref<50x4096x128xf32, #tpu.memory_space<hbm>> -> memref<1x128x128xf32, #tpu.memory_space<hbm>>
    %dma_wait3A_13 = tpu.memref_squeeze %dma_wait3A_12 : memref<1x128x128xf32, #tpu.memory_space<hbm>> -> memref<128x128xf32, #tpu.memory_space<hbm>>
    tpu.wait_dma2 semaphore(%arg10 : memref<!tpu.dma_semaphore, #tpu.memory_space<semaphore_mem>>) src(%arg6 : memref<128x128xf32, #tpu.memory_space<vmem>>) dst(%dma_wait3A_13 : memref<128x128xf32, #tpu.memory_space<hbm>>)
    %dma_wait3A_14 = arith.constant 0 : i32
    %dma_wait3A_15 = arith.constant 0 : i32
    %dma_wait3A_16 = tpu.memref_slice %arg4[%dma_wait3A_14, %mul3A_2, %dma_wait3A_15] : memref<50x4096x128xf32, #tpu.memory_space<hbm>> -> memref<1x128x128xf32, #tpu.memory_space<hbm>>
    %dma_wait3A_17 = tpu.memref_squeeze %dma_wait3A_16 : memref<1x128x128xf32, #tpu.memory_space<hbm>> -> memref<128x128xf32, #tpu.memory_space<hbm>>
    %dma_wait3A_18 = arith.constant 0 : i32
    %dma_wait3A_19 = tpu.memref_slice %arg4[%dma_wait3A_14, %mul3A_2, %dma_wait3A_18] : memref<50x4096x128xf32, #tpu.memory_space<hbm>> -> memref<1x128x128xf32, #tpu.memory_space<hbm>>
    %dma_wait3A_20 = tpu.memref_squeeze %dma_wait3A_19 : memref<1x128x128xf32, #tpu.memory_space<hbm>> -> memref<128x128xf32, #tpu.memory_space<hbm>>
    tpu.wait_dma2 semaphore(%arg11 : memref<!tpu.dma_semaphore, #tpu.memory_space<semaphore_mem>>) src(%arg7 : memref<128x128xf32, #tpu.memory_space<vmem>>) dst(%dma_wait3A_20 : memref<128x128xf32, #tpu.memory_space<hbm>>)
    return
  }
}

module attributes {stable_mosaic.version = 14 : i64} {
  func.func @_prep_body(%arg0: memref<24x128xf32, #tpu.memory_space<vmem>>, %arg1: memref<16x128xf32, #tpu.memory_space<vmem>>, %arg2: memref<50x128xf32, #tpu.memory_space<vmem>>, %arg3: memref<4096x50xi32, #tpu.memory_space<vmem>>, %arg4: memref<4096x50xi32, #tpu.memory_space<vmem>>, %arg5: memref<50x384x128xf32, #tpu.memory_space<vmem>>, %arg6: memref<32x50x128xi32, #tpu.memory_space<vmem>>) attributes {dimension_semantics = [], scalar_prefetch = 0 : i64, scratch_operands = 0 : i64, tpu.core_type = #tpu.core_type<tc>} {
    %get3A = arith.constant 0 : index
    %get3A_0 = arith.constant 0 : index
    %get3A_1 = vector.load %arg0[%get3A, %get3A_0] : memref<24x128xf32, #tpu.memory_space<vmem>>, vector<24x128xf32>
    %broadcast_in_dim3A = vector.shape_cast %get3A_1 : vector<24x128xf32> to vector<24x1x128xf32>
    %get3A_2 = arith.constant 0 : index
    %get3A_3 = arith.constant 0 : index
    %get3A_4 = vector.load %arg1[%get3A_2, %get3A_3] : memref<16x128xf32, #tpu.memory_space<vmem>>, vector<16x128xf32>
    %broadcast_in_dim3A_5 = vector.shape_cast %get3A_4 : vector<16x128xf32> to vector<1x16x128xf32>
    %add3A = vector.broadcast %broadcast_in_dim3A : vector<24x1x128xf32> to vector<24x16x128xf32>
    %add3A_6 = vector.broadcast %broadcast_in_dim3A_5 : vector<1x16x128xf32> to vector<24x16x128xf32>
    %add3A_7 = arith.addf %add3A, %add3A_6 : vector<24x16x128xf32>
    %mul3A = arith.constant 4.89897966 : f32
    %mul3A_8 = vector.broadcast %mul3A : f32 to vector<24x16x128xf32>
    %mul3A_9 = arith.mulf %add3A_7, %mul3A_8 : vector<24x16x128xf32>
    %reshape3A = vector.shape_cast %mul3A_9 : vector<24x16x128xf32> to vector<384x128xf32>
    %broadcast_in_dim3A_10 = vector.shape_cast %reshape3A : vector<384x128xf32> to vector<1x384x128xf32>
    %get3A_11 = arith.constant 0 : index
    %get3A_12 = arith.constant 0 : index
    %get3A_13 = vector.load %arg2[%get3A_11, %get3A_12] : memref<50x128xf32, #tpu.memory_space<vmem>>, vector<50x128xf32>
    %broadcast_in_dim3A_14 = vector.shape_cast %get3A_13 : vector<50x128xf32> to vector<50x1x128xf32>
    %add3A_15 = vector.broadcast %broadcast_in_dim3A_10 : vector<1x384x128xf32> to vector<50x384x128xf32>
    %add3A_16 = vector.broadcast %broadcast_in_dim3A_14 : vector<50x1x128xf32> to vector<50x384x128xf32>
    %add3A_17 = arith.addf %add3A_15, %add3A_16 : vector<50x384x128xf32>
    %swap3A = arith.constant 0 : index
    %swap3A_18 = arith.constant 0 : index
    %swap3A_19 = arith.constant 0 : index
    %swap3A_20 = vector.load %arg5[%swap3A, %swap3A_18, %swap3A_19] : memref<50x384x128xf32, #tpu.memory_space<vmem>>, vector<50x384x128xf32>
    tpu.vector_store %arg5[%swap3A, %swap3A_18, %swap3A_19], %add3A_17 {strides = array<i32>} : memref<50x384x128xf32, #tpu.memory_space<vmem>>, vector<50x384x128xf32>,
    %get3A_21 = arith.constant 0 : index
    %get3A_22 = arith.constant 0 : index
    %get3A_23 = vector.load %arg3[%get3A_21, %get3A_22] : memref<4096x50xi32, #tpu.memory_space<vmem>>, vector<4096x50xi32>
    %mul3A_24 = arith.constant 16 : i32
    %mul3A_25 = vector.broadcast %mul3A_24 : i32 to vector<4096x50xi32>
    %mul3A_26 = arith.muli %get3A_23, %mul3A_25 : vector<4096x50xi32>
    %get3A_27 = arith.constant 0 : index
    %get3A_28 = arith.constant 0 : index
    %get3A_29 = vector.load %arg4[%get3A_27, %get3A_28] : memref<4096x50xi32, #tpu.memory_space<vmem>>, vector<4096x50xi32>
    %add3A_30 = arith.addi %mul3A_26, %get3A_29 : vector<4096x50xi32>
    %reshape3A_31 = vector.shape_cast %add3A_30 : vector<4096x50xi32> to vector<32x128x50xi32>
    %transpose3A = tpu.transpose %reshape3A_31, [0, 2, 1] : vector<32x128x50xi32> -> vector<32x50x128xi32>
    %iota3A = tpu.iota {dimensions = array<i32: 1>} : vector<32x50x128xi32>
    %mul3A_32 = arith.constant 384 : i32
    %mul3A_33 = vector.broadcast %mul3A_32 : i32 to vector<32x50x128xi32>
    %mul3A_34 = arith.muli %iota3A, %mul3A_33 : vector<32x50x128xi32>
    %add3A_35 = arith.addi %transpose3A, %mul3A_34 : vector<32x50x128xi32>
    %swap3A_36 = arith.constant 0 : index
    %swap3A_37 = arith.constant 0 : index
    %swap3A_38 = arith.constant 0 : index
    %swap3A_39 = vector.load %arg6[%swap3A_36, %swap3A_37, %swap3A_38] : memref<32x50x128xi32, #tpu.memory_space<vmem>>, vector<32x50x128xi32>
    tpu.vector_store %arg6[%swap3A_36, %swap3A_37, %swap3A_38], %add3A_35 {strides = array<i32>} : memref<32x50x128xi32, #tpu.memory_space<vmem>>, vector<32x50x128xi32>,
    return
  }
}

</mosaic_0001>

<sc_bundles>
// kernel: kernel.4.cloned.1.call-start
scs
__scs_entry_jumppad:
0x0: {  	(pc) =	sbr.rel $0x88, $3  }
0x1: {  	(tag) =	ssettag $0x0;
	lr =	simm.s32 $0x1  }
0x2: {  	[smem:$0x3F9C] =	sst lr;
	_ =	strace $0xD0000000  }
0x3: {  	_ = 	snop  }
0x4: {  	_ = 	snop  }
0x5: {  	_ = 	snop  }
0x6: {  	_ = 	snop  }
0x7: {  	_ = 	snop  }
__scs_overlays_trampoline_lowered:
0x8: {  	[smem:$0x3FAB] =	sst s0  }
0x9: {  	[smem:$0x3FAC] =	sst s1  }
0xa: {  	[smem:$0x3FAD] =	sst s2  }
0xb: {  	[smem:$0x3FAE] =	sst s3  }
0xc: {  	[smem:$0x3FAF] =	sst s4  }
0xd: {  	[smem:$0x3FB0] =	sst s5  }
0xe: {  	[smem:$0x3FB1] =	sst s6  }
0xf: {  	[smem:$0x3FB2] =	sst s7  }
0x10: {  	[smem:$0x3FB3] =	sst s8  }
0x11: {  	[smem:$0x3FB4] =	sst s9;
	s0 =	simm.s32 @!p0 $0x0  }
0x12: {  	s1 =	sld [smem:$0x3F9A];
	s0 =	simm.s32 @p0 $0x1  }
0x13: {  	[smem:$0x3FB5] =	sst s0;
	s0 =	simm.s32 @!p1 $0x0  }
0x14: {  	s2 =	sld [smem:$0x3F99];
	s0 =	simm.s32 @p1 $0x1  }
0x15: {  	[smem:$0x3FB6] =	sst s0;
	s0 =	simm.s32 @!p2 $0x0  }
0x16: {  	s3 =	sld [smem:$0x3FDB];
	s0 =	simm.s32 @p2 $0x1  }
0x17: {  	s4 =	simm.s32 $0x1BF5;
	[smem:$0x3FB8] =	sst s0  }
0x18: {  	s0 =	sld [smem:$0x3F9B];
	_ =	swait.ge [sflag:s4], $0x0  }
0x19: {  	s7 =	sld [smem:$0x3F9C]  }
0x1a: {  	s8 =	sadd.s32 $0xFFFFE003, lr  }
0x1b: {  	s9 =	sadd.s32 $0xFFFFFEF7, lr;
	s5 =	simm.s32 $0xFFFFFFFF;
	p2 =	slt.u32 s8, $0xFFFFF086  }
0x1c: {  	p1 =	slt.u32 s9, $0xF7A;
	s5 =	simm.s32 @!p2 $0x0  }
0x1d: {  	s5 =	simm.s32 @p1 $0x1;
	p0 =	seq.s32 s7, s2  }
0x1e: {  	s7 =	smul.u32 @!p0 $0xF7A, s2;
	p2 =	seq.s32 @!p0 s5, $0x0  }
0x1f: {  	s9 =	smul.u32 $0xF7A, s1;
	s8 =	simm.s32 @!p0 $0x1BF5;
	p2 =	por !p2, p0  }
0x20: {  	[sflag:s8] =	ssyncset.s32 @!p0 $0xFFFFF086;
	s6 =	sadd.s32 @!p0 s3, s7;
	s7 =	simm.s32 @!p0 $0x108  }
0x21: {  	s3 =	sadd.s32 s3, s9;
	s6 =	sadd.s32 @!p0 $0x88, s6;
	s7 =	simm.s32 @p2 $0x1082  }
0x22: {  	[simem:s7], [sflag:s8] =	dma.local @!p0 [hbm:s6], $0xF7A  }
0x23: {  	s9 =	sor.u32 $0xD0000000, s2;
	s6 =	simm.s32 $0x108;
	_ =	swait.ge @!p0 [sflag:s8], $0x0  }
0x24: {  	s3 =	sadd.s32 $0x88, s3;
	s6 =	simm.s32 @!p1 $0x1082;
	[sflag:s4] =	ssyncset.s32 $0xFFFFF086  }
0x25: {  	[simem:s6], [sflag:s4] =	dma.local [hbm:s3], $0xF7A  }
0x26: {  	[smem:$0x3F9C] =	sst s1;
	(tag) =	ssettag s2;
	_ =	strace s9  }
0x27: {  	s1 =	sld [smem:$0x3FAC]  }
0x28: {  	s2 =	sld [smem:$0x3FAD]  }
0x29: {  	s4 =	sld [smem:$0x3FAF]  }
0x2a: {  	p0 =	seq.s32 s5, $0x0;
	s5 =	sld [smem:$0x3FB0]  }
0x2b: {  	s6 =	sld [smem:$0x3FB1]  }
0x2c: {  	s7 =	sld [smem:$0x3FB2]  }
0x2d: {  	s3 =	simm.s32 $0x108;
	s8 =	sld [smem:$0x3FB3]  }
0x2e: {  	s3 =	simm.s32 @!p0 $0x1082;
	s9 =	sld [smem:$0x3FB4]  }
0x2f: {  	lr =	sadd.s32 s0, s3;
	s0 =	sld [smem:$0x3FAB]  }
0x30: {  	s3 =	sld [smem:$0x3FAE]  }
0x31: {  	[smem:$0x3FB7] =	sst s10  }
0x32: {  	s10 =	sld [smem:$0x3FB5];
	_ =	sdelay $0x3  }
0x33: {  	p0 =	seq.s32 s10, $0x1;
	s10 =	sld [smem:$0x3FB7];
	_ =	sdelay $0x3  }
0x34: {  	[smem:$0x3FB7] =	sst s10  }
0x35: {  	s10 =	sld [smem:$0x3FB6];
	_ =	sdelay $0x3  }
0x36: {  	p1 =	seq.s32 s10, $0x1;
	s10 =	sld [smem:$0x3FB7];
	_ =	sdelay $0x3  }
0x37: {  	[smem:$0x3FB7] =	sst s10  }
0x38: {  	s10 =	sld [smem:$0x3FB8]  }
0x39: {  	_ = 	snop;
	(pc) =	sbr.ind lr, $3  }
0x3a: {  	_ = 	snop  }
0x3b: {  	_ = 	snop  }
0x3c: {  	p2 =	seq.s32 s10, $0x1;
	s10 =	sld [smem:$0x3FB7]  }
0x3d: {  	_ =	shalt  }
0x3e: {  	_ =	shalt  }
0x3f: {  	_ =	shalt  }
0x40: {  	_ =	shalt  }
0x41: {  	_ =	shalt  }
0x42: {  	_ =	shalt  }
0x43: {  	_ =	shalt  }
0x44: {  	_ =	shalt  }
0x45: {  	_ =	shalt  }
0x46: {  	_ =	shalt  }
0x47: {  	_ =	shalt  }
0x48: {  	_ =	shalt  }
0x49: {  	_ =	shalt  }
0x4a: {  	_ =	shalt  }
0x4b: {  	_ =	shalt  }
0x4c: {  	_ =	shalt  }
0x4d: {  	_ =	shalt  }
0x4e: {  	_ =	shalt  }
0x4f: {  	_ =	shalt  }
0x50: {  	_ =	shalt  }
0x51: {  	_ =	shalt  }
0x52: {  	_ =	shalt  }
0x53: {  	_ =	shalt  }
0x54: {  	_ =	shalt  }
0x55: {  	_ =	shalt  }
0x56: {  	_ =	shalt  }
0x57: {  	_ =	shalt  }
0x58: {  	_ =	shalt  }
0x59: {  	_ =	shalt  }
0x5a: {  	_ =	shalt  }
0x5b: {  	_ =	shalt  }
0x5c: {  	_ =	shalt  }
0x5d: {  	_ =	shalt  }
0x5e: {  	_ =	shalt  }
0x5f: {  	_ =	shalt  }
0x60: {  	_ =	shalt  }
0x61: {  	_ =	shalt  }
0x62: {  	_ =	shalt  }
0x63: {  	_ =	shalt  }
0x64: {  	_ =	shalt  }
0x65: {  	_ =	shalt  }
0x66: {  	_ =	shalt  }
0x67: {  	_ =	shalt  }
0x68: {  	_ =	shalt  }
0x69: {  	_ =	shalt  }
0x6a: {  	_ =	shalt  }
0x6b: {  	_ =	shalt  }
0x6c: {  	_ =	shalt  }
0x6d: {  	_ =	shalt  }
0x6e: {  	_ =	shalt  }
0x6f: {  	_ =	shalt  }
0x70: {  	_ =	shalt  }
0x71: {  	_ =	shalt  }
0x72: {  	_ =	shalt  }
0x73: {  	_ =	shalt  }
0x74: {  	_ =	shalt  }
0x75: {  	_ =	shalt  }
0x76: {  	_ =	shalt  }
0x77: {  	_ =	shalt  }
0x78: {  	_ =	shalt  }
0x79: {  	_ =	shalt  }
0x7a: {  	_ =	shalt  }
0x7b: {  	_ =	shalt  }
0x7c: {  	_ =	shalt  }
0x7d: {  	_ =	shalt  }
0x7e: {  	_ =	shalt  }
0x7f: {  	_ =	shalt  }
0x80: {  	_ =	shalt  }
0x81: {  	_ =	shalt  }
0x82: {  	_ =	shalt  }
0x83: {  	_ =	shalt  }
0x84: {  	_ =	shalt  }
0x85: {  	_ =	shalt  }
0x86: {  	_ =	shalt  }
0x87: {  	_ =	shalt  }
.Lfunc_end0:
.L_simem_size_0:
called_computation_lowered:
.L_overlay_start_0:
0x88: {  	s2 =	sld [smem:$0x3FD9]  }
0x89: {  	s3 =	sld [smem:$0x3FFE];
	_ =	sdelay $0x1  }
0x8a: {  	s1 =	srdreg.scid  }
0x8b: {  	s0 =	sand.u32 $0x1, s1  }
0x8c: {  	s17 =	sshll.u32 s0, $0xA;
	s2 =	sadd.s32 s3, s2  }
0x8d: {  	s2 =	sadd.s32 s2, s17  }
0x8e: {  	[smem:$0x3FC3] =	sst s2  }
0x8f: {  	_ = 	snop  }
0x90: {  	s2 =	sld [smem:$0x3FD0];
	(tm) =	ssettm $0x1  }
0x91: {  	s18 =	sld [smem:$0x3FFB];
	_ =	sdelay $0x3  }
0x92: {  	_ =	strace s18  }
0x93: {  	s3 =	sld [smem:$0x3FFC];
	_ =	sdelay $0x3  }
0x94: {  	_ =	strace s3  }
0x95: {  	s3 =	sld [smem:$0x3FFD];
	_ =	sdelay $0x3  }
0x96: {  	_ =	strace s3  }
0x97: {  	_ =	strace $0x8FFFFFFF  }
0x98: {  	s19 =	sld [smem:$0x3FDB];
	_ =	sdelay $0x1  }
0x99: {  	s4 =	simm.s32 $_scs_section_size  }
0x9a: {  	s5 =	simm.s32 $_size__tile_overlayer_lowered;
	s6 =	simm.s32 $_tile_overlayer_lowered  }
0x9b: {  	s22 =	simm.s32 $0x1BFF;
	s21 =	sshll.u32 s6, $0x1;
	s3 =	sadd.s32 s4, s19  }
0x9c: {  	s7 =	simm.s32 $0x0;
	s20 =	sshll.u32 s5, $0x1;
	s5 =	sadd.s32 s21, s3  }
0x9d: {  	[timem:s7], [sflag:s22] =	dma.local [hbm:s5], s20  }
0x9e: {  	_ =	swait.ge [sflag:s22], s20  }
0x9f: {  	s4 =	ssub.s32 $0x0, s20;
	[sflag:s22] =	ssyncset.done $0x0  }
0xa0: {  	[sflag:s22] =	ssyncadd.s32 s4;
	_ =	sdelay $0x1  }
0xa1: {  	s23 =	simm.s32 $0x1B8B  }
0xa2: {  	_ =	swait.ge [sflag:s23], $0x1  }
0xa3: {  	[sflag:s23] =	ssyncset.done $0x0  }
0xa4: {  	s25 =	simm.s32 $0x1B8E;
	s24 =	sld [smem:$0x3FFE];
	[sflag:s23] =	ssyncadd.s32 $0xFFFFFFFF  }
0xa5: {  	s26 =	simm.s32 $execute0_lowered;
	[smem:$0x3FD2] =	sst s25  }
0xa6: {  	s5 =	sshll.u32 s26, $0x1;
	_ =	strace $0x80000046;
	[dreg:$0x1] =	wrdreg $0xFFFFFFFF  }
0xa7: {  	s28 =	simm.s32 $_size_execute0_lowered;
	s3 =	sadd.s32 s3, s5;
	[dreg:$0x0] =	wrdreg $0x0  }
0xa8: {  	s5 =	sshll.u32 s28, $0x1;
	[dreg:$0x2] =	wrdreg s3  }
0xa9: {  	[dreg:$0x3] =	wrdreg s5  }
0xaa: {  	[dreg:$0x4] =	wrdreg $0xC0  }
0xab: {  	_ =	task [dreg:s7], $0x5FFFF  }
0xac: {  	[dreg:$0x1] =	wrdreg $0xFFFFFFFF  }
0xad: {  	[dreg:$0x0] =	wrdreg $0x60  }
0xae: {  	[dreg:$0x2] =	wrdreg s24  }
0xaf: {  	[dreg:$0x3] =	wrdreg s2  }
0xb0: {  	[dreg:$0x4] =	wrdreg $0x9  }
0xb1: {  	_ =	task.clear_ibuf [dreg:s7], $0x5FFFF;
	_ =	strace $0x90000046  }
0xb2: {  	s29 =	simm.s32 $0x9;
	_ =	strace $0x80000048  }
0xb3: {  	_ =	swait.ge [sflag:s29], $0x1  }
0xb4: {  	[sflag:s29] =	ssyncadd.s32 $0xFFFFFFFF  }
0xb5: {  	_ =	strace $0x90000048  }
0xb6: {  	_ =	sfence  }
0xb7: {  	s30 =	sld [smem:$0x0];
	_ =	sdelay $0x2  }
0xb8: {  	s31 =	sshll.u32 s1, $0xD;
	s1 =	sshrl.u32 s1, $0x2  }
0xb9: {  	s3 =	sand.u32 $0x4000, s31;
	s1 =	sadd.s32 s1, s30  }
0xba: {  	s0 =	sor.u32 s3, s0;
	s1 =	sshll.u32 s1, $0x11  }
0xbb: {  	s0 =	sor.u32 s1, s0  }
0xbc: {  	s0 =	sadd.s32 $0x8F2B, s0  }
0xbd: {  	[sflag:s0] =	ssyncadd.remote.s32 $0x1  }
0xbe: {  	_ =	sfence.sel $0xFFFF  }
0xbf: {  	[dreg:$0x0] =	wrdreg $0xFFFFFFFF;
	(pc) =	sbr.abs _section_cstart, $3  }
0xc0: {  	[dreg:$0x1] =	wrdreg $0xFFFFFFFF  }
0xc1: {  	_ =	task.clear_ibuf [dreg:s7], $0x2FFFF;
	_ =	strace $0x9FFFFFFF  }
0xc2: {  	(tm) =	ssettm $0x7FFFFFFF  }
0xc3: {  	_ =	shalt  }
tec
execute0_lowered:
.L_overlay_start_1:
0x0: {  	(tag) =	ssettag $0x1  }
0x1: {  	s5 =	rddreg [dreg:$0x0]  }
0x2: {  	s2 =	rddreg [dreg:$0x1]  }
0x3: {  	s0 =	rddreg [dreg:$0x2];
	s3 =	simm.s32 $0x0;
	s4 =	srdreg.scid  }
0x4: {  	s1 =	stileid.u32;
	s12 =	simm.s32 $0x80;
	s13 =	simm.s32 $0x1C00  }
0x5: {  	s14 =	simm.s32 $0x1;
	s15 =	simm.s32 $0x5C00;
	s16 =	simm.s32 $0x2  }
0x6: {  	s17 =	simm.s32 $0x3;
	s18 =	simm.s32 $0x4;
	s19 =	simm.s32 $0x0  }
0x7: {  	[smem:$0x7FF] =	sst s3;
	s6 =	sand.u32 $0x1, s4;
	s28 =	sshll.u32 s1, $0x1  }
0x8: {  	s4 =	sadd.s32 $0xC00, s5;
	s11 =	sshll.u32 s1, $0xF;
	_ =	strace $0x80000047  }
0x9: {  	s7 =	sor.u32 s6, s28;
	s9 =	ssub.s32 $0x2, s6;
	s6 =	sshll.u32 s6, $0xE  }
0xa: {  	s8 =	smul.u32 $0x380, s7;
	s10 =	sshrl.u32 s9, $0x1;
	s30 =	sor.u32 s6, s11  }
0xb: {  	s7 =	sshll.u32 s7, $0xB;
	s11 =	simm.s32 $0x5;
	s29 =	ssub.s32 s9, s10  }
0xc: {  	s31 =	sor.u32 $0x180000, s30;
	s7 =	sadd.s32 s2, s7;
	s9 =	sor.u32 $0x100000, s30  }
0xd: {  	s5 =	sadd.s32 s8, s5;
	s6 =	smax.u32 s29, $0x1;
	s10 =	sshrl.u32 s31, $0x3  }
0xe: {  	s8 =	sadd.s32 $0x10000, s7;
	s5 =	sadd.s32 $0x4BC00, s5;
	s10 =	sadd.s32 s10, s2  }
.LBB2_1:
0xf: {  	[tilespmem:s3], [sflag:$0x5] =	stream.linear.gather [hbm4b:s5+s3], $0x1900, $0x38;
	[tilespmem:$0x9C00] =	vst v63  }
0x10: {  	_ =	swait.ge [sflag:s11], $0x1900  }
0x11: {  	[sflag:s11] =	ssyncset.done $0x0  }
0x12: {  	[sflag:s11] =	ssyncadd.s32 $0xFFFFE700  }
0x13: {  	[tilespmem:s13], [sflag:$0x1] =	stream.indirect.gather [hbm4b:s4+s12], $0x80, s3, s12, $0xb8;
	[tilespmem:$0x9C00] =	vst v63  }
0x14: {  	_ =	swait.ge [sflag:s14], $0x4000  }
0x15: {  	[sflag:s14] =	ssyncset.done $0x0  }
0x16: {  	[sflag:s14] =	ssyncadd.s32 $0xFFFFC000  }
0x17: {  	[hbm4b:s7+s3] =	stream.linear.scatter [tilespmem:s13], [sflag:$0x3], $0x4000, $0x38;
	[tilespmem:$0x9C00] =	vst v63  }
0x18: {  	_ = 	snop  }
0x19: {  	[tilespmem:s15], [sflag:$0x2] =	stream.indirect.gather [hbm4b:s4+s12], $0x80, s12, s12, $0xb8;
	[tilespmem:$0x9C00] =	vst v63  }
0x1a: {  	_ =	swait.ge [sflag:s16], $0x4000  }
0x1b: {  	[sflag:s16] =	ssyncset.done $0x0  }
0x1c: {  	[sflag:s16] =	ssyncadd.s32 $0xFFFFC000  }
0x1d: {  	[hbm4b:s8+s3] =	stream.linear.scatter [tilespmem:s15], [sflag:$0x4], $0x4000, $0x38;
	[tilespmem:$0x9C00] =	vst v63  }
0x1e: {  	_ =	swait.ge [sflag:s17], $0x4000  }
0x1f: {  	[sflag:s17] =	ssyncset.done $0x0  }
0x20: {  	s20 =	simm.s32 $0x100;
	[sflag:s17] =	ssyncadd.s32 $0xFFFFC000  }
0x21: {  	[tilespmem:s13], [sflag:$0x1] =	stream.indirect.gather [hbm4b:s4+s12], $0x80, s20, s12, $0xb8;
	[tilespmem:$0x9C00] =	vst v63  }
0x22: {  	_ =	swait.ge [sflag:s14], $0x4000  }
0x23: {  	s30 =	sshrl.u32 s9, $0x3;
	[sflag:s14] =	ssyncset.done $0x0  }
0x24: {  	s20 =	sadd.s32 s2, s30;
	[sflag:s14] =	ssyncadd.s32 $0xFFFFC000  }
0x25: {  	[hbm4b:s20+s3] =	stream.linear.scatter [tilespmem:s13], [sflag:$0x3], $0x4000, $0x38;
	[tilespmem:$0x9C00] =	vst v63  }
0x26: {  	_ =	swait.ge [sflag:s18], $0x4000  }
0x27: {  	[sflag:s18] =	ssyncset.done $0x0  }
0x28: {  	s31 =	simm.s32 $0x180;
	[sflag:s18] =	ssyncadd.s32 $0xFFFFC000  }
0x29: {  	[tilespmem:s15], [sflag:$0x2] =	stream.indirect.gather [hbm4b:s4+s12], $0x80, s31, s12, $0xb8;
	[tilespmem:$0x9C00] =	vst v63  }
0x2a: {  	_ =	swait.ge [sflag:s16], $0x4000  }
0x2b: {  	s21 =	simm.s32 $0x200;
	s23 =	sadd.s32 $0x0, s10;
	[sflag:s16] =	ssyncset.done $0x0  }
0x2c: {  	s22 =	sadd.s32 $0x100000, s9;
	s20 =	simm.s32 $0x20000;
	[sflag:s16] =	ssyncadd.s32 $0xFFFFC000  }
.LBB2_2:
0x2d: {  	[hbm4b:s23+s3] =	stream.linear.scatter [tilespmem:s15], [sflag:$0x4], $0x4000, $0x38;
	[tilespmem:$0x9C00] =	vst v63  }
0x2e: {  	s23 =	smov.u32 s20  }
0x2f: {  	p0 =	sne.s32 s20, $0x2E0000;
	s20 =	sadd.s32 $0x20000, s20;
	_ =	swait.ge [sflag:s17], $0x4000  }
0x30: {  	[sflag:s17] =	ssyncset.done $0x0  }
0x31: {  	[sflag:s17] =	ssyncadd.s32 $0xFFFFC000  }
0x32: {  	[tilespmem:s13], [sflag:$0x1] =	stream.indirect.gather [hbm4b:s4+s12], $0x80, s21, s12, $0xb8;
	[tilespmem:$0x9C00] =	vst v63  }
0x33: {  	_ =	swait.ge [sflag:s14], $0x4000  }
0x34: {  	s24 =	sshrl.u32 s22, $0x3;
	[sflag:s14] =	ssyncset.done $0x0  }
0x35: {  	s24 =	sadd.s32 s2, s24;
	[sflag:s14] =	ssyncadd.s32 $0xFFFFC000  }
0x36: {  	[hbm4b:s24+s3] =	stream.linear.scatter [tilespmem:s13], [sflag:$0x3], $0x4000, $0x38;
	[tilespmem:$0x9C00] =	vst v63  }
0x37: {  	_ =	swait.ge [sflag:s18], $0x4000  }
0x38: {  	[sflag:s18] =	ssyncset.done $0x0  }
.Ltmp0:
0x39: {  	s24 =	sadd.s32 $0x80, s21;
	[sflag:s18] =	ssyncadd.s32 $0xFFFFC000;
	(pc) =	sbr.rel @p0 .LBB2_2-.Ltmp0, $4  }
0x3a: {  	[tilespmem:s15], [sflag:$0x2] =	stream.indirect.gather [hbm4b:s4+s12], $0x80, s24, s12, $0xb8;
	[tilespmem:$0x9C00] =	vst v63  }
0x3b: {  	_ =	swait.ge [sflag:s16], $0x4000  }
0x3c: {  	s21 =	sadd.s32 $0x100, s21;
	[sflag:s16] =	ssyncset.done $0x0  }
0x3d: {  	s22 =	sadd.s32 $0x100000, s22;
	s23 =	sadd.s32 s23, s10;
	[sflag:s16] =	ssyncadd.s32 $0xFFFFC000  }
0x3e: {  	[hbm4b:s23+s3] =	stream.linear.scatter [tilespmem:s15], [sflag:$0x4], $0x4000, $0x38;
	[tilespmem:$0x9C00] =	vst v63  }
0x3f: {  	s19 =	sadd.s32 $0x1, s19  }
0x40: {  	_ =	swait.ge [sflag:s17], $0x4000;
	p0 =	sne.s32 s19, s6  }
.Ltmp1:
0x41: {  	[sflag:s17] =	ssyncset.done $0x0;
	(pc) =	sbr.rel @p0 .LBB2_1-.Ltmp1, $4  }
0x42: {  	[sflag:s17] =	ssyncadd.s32 $0xFFFFC000  }
0x43: {  	_ =	swait.ge [sflag:s18], $0x4000  }
0x44: {  	[sflag:s18] =	ssyncset.done $0x0  }
0x45: {  	[sflag:s18] =	ssyncadd.s32 $0xFFFFC000  }
0x46: {  	_ =	sfence.sel $0x180000  }
0x47: {  	[bflag:$0x0] =	sbarrier.arrive $0xFFFF  }
0x48: {  	p0 =	sne.s32 s1, $0x0;
	_ =	strace $0x90000047  }
0x49: {  	s0 =	sadd.s32 @!p0 $0x100000, s0;
	[bflag:$0x2] =	sbarrier.arrive $0xFFFF  }
0x4a: {  	[sflag:s0] =	ssyncadd.tile.s32 @!p0 $0x1;
	_ =	shalt  }
.Lfunc_end2:
_tile_overlayer_lowered:
.L_overlay_start_2:
0x4b: {  	(tag) =	ssettag $0x2  }
0x4c: {  	s0 =	rddreg [dreg:$0x0];
	s2 =	stileid.u32  }
0x4d: {  	s1 =	rddreg [dreg:$0x1];
	p0 =	sne.s32 s2, $0x0  }
0x4e: {  	s3 =	rddreg [dreg:$0x2];
	[bflag:$0x3] =	sbarrier.arrive $0xFFFF;
	s2 =	simm.s32 @!p0 $0x1C05  }
0x4f: {  	[timem:s3], [sflag:s2] =	dma.local @!p0 [hbm:s0], s1  }
0x50: {  	s0 =	simm.s32 @!p0 $0x5  }
0x51: {  	_ =	swait.ge @!p0 [sflag:s0], s1  }
0x52: {  	s1 =	ssub.s32 @!p0 $0x0, s1;
	[sflag:s0] =	ssyncset.done @!p0 $0x0  }
0x53: {  	[sflag:s0] =	ssyncadd.s32 @!p0 s1  }
0x54: {  	[bflag:$0x3] =	sbarrier.arrive $0xFFFF  }
0x55: {  	_ =	shalt  }

</sc_bundles>
